<compile_context>
chip_gen: v7x
topology: tpu7x:2x2x1
jax: 0.10.2.dev20260603
libtpu: 0.0.44.dev20260713+nightly
codegen_flags: <defaults>
</compile_context>

<pallas_src>
import functools

import jax
import jax.numpy as jnp
from jax import lax
from jax.experimental import pallas as pl
from jax.experimental.pallas import tpu as pltpu
from jax.experimental.pallas import tpu_sc as plsc

_B, _L, _D = 4096, 200, 64
_T = _B * _L
_NC, _NS, _LANES = 2, 16, 16
_NW = _NC * _NS
_TPW = _T // _NW
_C = 256
_NCHUNK = _TPW // _C
_IB = _C // 128

_mesh = plsc.VectorSubcoreMesh(core_axis_name="c", subcore_axis_name="s")


@functools.partial(
    pl.kernel,
    mesh=_mesh,
    compiler_params=pltpu.CompilerParams(use_tc_tiling_on_sc=False),
    out_type=jax.ShapeDtypeStruct((_T, _D), jnp.float32),
    scratch_types=[
        pltpu.VMEM((_IB, 128), jnp.int32),
        pltpu.VMEM((_C, _D), jnp.float32),
        pltpu.VMEM((_C, _D), jnp.float32),
        pltpu.VMEM((_C,), jnp.float32),
        pltpu.VMEM((_C,), jnp.float32),
        pltpu.SemaphoreType.DMA,
    ],
)
def _sc_gate(x_hbm, ids_hbm, sc_hbm, gv_hbm, gb_hbm, out_hbm,
             ids_v, rows_v, x_v, sc_v, b_v, sem):
    wid = lax.axis_index("s") * _NC + lax.axis_index("c")
    base = wid * _TPW
    base128 = wid * (_TPW // 128)

    def chunk(ci, carry):
        off = base + ci * _C
        pltpu.sync_copy(ids_hbm.at[pl.ds(base128 + ci * _IB, _IB)], ids_v)
        copies = []
        for j in range(_IB):
            copies.append(pltpu.async_copy(
                gv_hbm.at[ids_v.at[j]],
                rows_v.at[pl.ds(j * 128, 128)], sem))
        for j in range(_IB):
            copies.append(pltpu.async_copy(
                gb_hbm.at[ids_v.at[j]],
                b_v.at[pl.ds(j * 128, 128)], sem))
        pltpu.sync_copy(x_hbm.at[pl.ds(off, _C)], x_v)
        pltpu.sync_copy(sc_hbm.at[pl.ds(off, _C)], sc_v)
        for c in copies:
            c.wait()

        def grp(g, _):
            t0 = g * _LANES
            sv = sc_v[pl.ds(t0, _LANES)]
            bv = b_v[pl.ds(t0, _LANES)]
            for t in range(_LANES):
                tok = t0 + t
                lane = jnp.full((_LANES,), t, jnp.int32)
                st = sv.at[lane].get(mode="promise_in_bounds")
                bt = bv.at[lane].get(mode="promise_in_bounds")
                for d0 in range(0, _D, _LANES):
                    xx = x_v[tok, pl.ds(d0, _LANES)]
                    gg = rows_v[tok, pl.ds(d0, _LANES)]
                    z = gg * xx + bt
                    s = 1.0 / (1.0 + jnp.exp(-z))
                    rows_v[tok, pl.ds(d0, _LANES)] = xx * s * st
            return 0

        pltpu.sync_copy(rows_v, out_hbm.at[pl.ds(off, _C)])
        return carry

    lax.fori_loop(0, _NCHUNK, chunk, 0)


def kernel(x, pattern_ids, match_scores, gate_vectors, gate_bias):
    x2 = x.reshape(_T, _D)
    ids2 = pattern_ids.reshape(_T // 128, 128).astype(jnp.int32)
    sc2 = match_scores.reshape(_T)
    out = _sc_gate(x2, ids2, sc2, gate_vectors, gate_bias)
    return out.reshape(_B, _L, _D)

# --- scband reference (transcript-rebuilt; emitter-appended) ---
"""Pipeline reference for scband-lookup-gating-11768210391676 (READ-ONLY COPY).

The authoritative reference and input builder live on the scoring server;
editing this copy changes nothing except your own understanding.
"""

import jax, jax.numpy as jnp
import numpy as np

N_PATTERNS = 1000000
D_MODEL = 64
B = 4096
L = 200

def setup_inputs(seed: int = 0) -> dict:
    key = jax.random.key(seed)
    k1, k2, k3, k4, k5 = jax.random.split(key, 5)
    x = jax.random.normal(k1, (B, L, D_MODEL), dtype=jnp.float32)
    pattern_ids = jax.random.randint(k2, (B, L), 0, N_PATTERNS, dtype=jnp.int64)
    match_scores = jax.random.uniform(k3, (B, L), dtype=jnp.float32)
    gate_vectors = jax.random.normal(k4, (N_PATTERNS, D_MODEL), dtype=jnp.float32)
    gate_bias = jnp.zeros((N_PATTERNS,), dtype=jnp.float32)
    return {"x": x, "pattern_ids": pattern_ids, "match_scores": match_scores,
            "gate_vectors": gate_vectors, "gate_bias": gate_bias}

def reference(x, pattern_ids, match_scores, gate_vectors, gate_bias):
    # gather pattern-specific gate vectors and biases
    gates = jnp.take(gate_vectors, pattern_ids, axis=0)          # [B, L, D]
    bias = jnp.take(gate_bias, pattern_ids, axis=0)              # [B, L]
    gate_weights = jax.nn.sigmoid(gates * x + bias[..., None])   # [B, L, D]
    gate_weights = gate_weights * match_scores[..., None]
    # dropout in eval mode == identity
    return x * gate_weights

if __name__ == "__main__":
    import jax
    _d = setup_inputs()
    print(jax.jit(kernel)(*tuple(_d.values())))

</pallas_src>

<mosaic_0001>
#map = affine_map<(d0, d1) -> (0, 0)>
#map1 = affine_map<(d0, d1) -> (0)>
module attributes {stable_mosaic.version = 14 : i64} {
  func.func @_sc_gate(%arg0: i32, %arg1: i32, %arg2: memref<819200x64xf32, #tpu.memory_space<hbm>>, %arg3: memref<6400x128xi32, #tpu.memory_space<hbm>>, %arg4: memref<819200xf32, #tpu.memory_space<hbm>>, %arg5: memref<1000000x64xf32, #tpu.memory_space<hbm>>, %arg6: memref<1000000xf32, #tpu.memory_space<hbm>>, %arg7: memref<819200x64xf32, #tpu.memory_space<hbm>>, %arg8: memref<2x128xi32, #tpu.memory_space<vmem>>, %arg9: memref<256x64xf32, #tpu.memory_space<vmem>>, %arg10: memref<256x64xf32, #tpu.memory_space<vmem>>, %arg11: memref<256xf32, #tpu.memory_space<vmem>>, %arg12: memref<256xf32, #tpu.memory_space<vmem>>, %arg13: memref<!tpu.dma_semaphore, #tpu.memory_space<semaphore_mem>>) attributes {dimension_semantics = [#tpu.dimension_semantics<core_parallel>, #tpu.dimension_semantics<subcore_parallel>], iteration_bounds = array<i64: 2, 16>, scalar_prefetch = 0 : i64, scratch_operands = 6 : i64, tpu.core_type = #tpu.core_type<sc_vector_subcore>, window_params = [{transform_indices = #map}, {transform_indices = #map}, {transform_indices = #map1}, {transform_indices = #map}, {transform_indices = #map1}, {transform_indices = #map}]} {
    %mul3A = arith.constant 2 : i32
    %mul3A_0 = arith.muli %arg1, %mul3A : i32
    %add3A = arith.addi %mul3A_0, %arg0 : i32
    %mul3A_1 = arith.constant 25600 : i32
    %mul3A_2 = arith.muli %add3A, %mul3A_1 : i32
    %mul3A_3 = arith.constant 200 : i32
    %mul3A_4 = arith.muli %add3A, %mul3A_3 : i32
    %scan3A = arith.constant 0 : i32
    %scan3A_5 = arith.constant 0 : i32
    %scan3A_6 = arith.constant 100 : i32
    %scan3A_7 = arith.addi %scan3A_5, %scan3A_6 : i32
    %scan3A_8 = arith.constant 1 : i32
    scf.for %scan3A_10 = %scan3A_5 to %scan3A_7 step %scan3A_8  : i32 {
      %mul3A_11 = arith.constant 256 : i32
      %mul3A_12 = arith.muli %scan3A_10, %mul3A_11 : i32
      %add3A_13 = arith.addi %mul3A_2, %mul3A_12 : i32
      %mul3A_14 = arith.constant 2 : i32
      %mul3A_15 = arith.muli %scan3A_10, %mul3A_14 : i32
      %add3A_16 = arith.addi %mul3A_4, %mul3A_15 : i32
      "tpu.region"() ({
        %run_scoped3A = tpu.sem_alloc : memref<!tpu.dma_semaphore, #tpu.memory_space<semaphore_mem>>
        %dma_start3A_87 = arith.constant 0 : i32
        %dma_start3A_88 = tpu.memref_slice %arg3[%add3A_16, %dma_start3A_87] : memref<6400x128xi32, #tpu.memory_space<hbm>> -> memref<2x128xi32, #tpu.memory_space<hbm>>
        %dma_start3A_89 = arith.constant 0 : i32
        %dma_start3A_90 = tpu.memref_slice %arg3[%add3A_16, %dma_start3A_89] : memref<6400x128xi32, #tpu.memory_space<hbm>> -> memref<2x128xi32, #tpu.memory_space<hbm>>
        tpu.enqueue_dma source(%dma_start3A_90 : memref<2x128xi32, #tpu.memory_space<hbm>>) target(%arg8 : memref<2x128xi32, #tpu.memory_space<vmem>>) target_semaphore(%run_scoped3A : memref<!tpu.dma_semaphore, #tpu.memory_space<semaphore_mem>>)
        %dma_wait3A_91 = arith.constant 0 : i32
        %dma_wait3A_92 = tpu.memref_slice %arg3[%add3A_16, %dma_wait3A_91] : memref<6400x128xi32, #tpu.memory_space<hbm>> -> memref<2x128xi32, #tpu.memory_space<hbm>>
        %dma_wait3A_93 = arith.constant 0 : i32
        %dma_wait3A_94 = tpu.memref_slice %arg3[%add3A_16, %dma_wait3A_93] : memref<6400x128xi32, #tpu.memory_space<hbm>> -> memref<2x128xi32, #tpu.memory_space<hbm>>
        tpu.wait_dma2 semaphore(%run_scoped3A : memref<!tpu.dma_semaphore, #tpu.memory_space<semaphore_mem>>) src(%dma_wait3A_94 : memref<2x128xi32, #tpu.memory_space<hbm>>) dst(%arg8 : memref<2x128xi32, #tpu.memory_space<vmem>>)
        tpu.yield
      }) : () -> ()
      %dma_start3A = arith.constant 0 : i32
      %dma_start3A_17 = arith.constant 0 : i32
      %dma_start3A_18 = arith.constant 0 : i32
      %dma_start3A_19 = tpu.memref_slice %arg9[%dma_start3A_17, %dma_start3A_18] : memref<256x64xf32, #tpu.memory_space<vmem>> -> memref<128x64xf32, #tpu.memory_space<vmem>>
      %dma_start3A_20 = arith.constant 0 : i32
      %dma_start3A_21 = tpu.memref_slice %arg8[%dma_start3A, %dma_start3A_20] : memref<2x128xi32, #tpu.memory_space<vmem>> -> memref<1x128xi32, #tpu.memory_space<vmem>>
      %dma_start3A_22 = tpu.memref_squeeze %dma_start3A_21 : memref<1x128xi32, #tpu.memory_space<vmem>> -> memref<128xi32, #tpu.memory_space<vmem>>
      %dma_start3A_23 = arith.constant 0 : i32
      %dma_start3A_24 = arith.constant 0 : i32
      %dma_start3A_25 = tpu.memref_slice %arg5[%dma_start3A_23, %dma_start3A_24] : memref<1000000x64xf32, #tpu.memory_space<hbm>> -> memref<1000000x64xf32, #tpu.memory_space<hbm>>
      tpu.enqueue_indirect_dma source(%dma_start3A_25 : memref<1000000x64xf32, #tpu.memory_space<hbm>>) target(%dma_start3A_19 : memref<128x64xf32, #tpu.memory_space<vmem>>) offsets(%dma_start3A_22 : memref<128xi32, #tpu.memory_space<vmem>>) semaphore(%arg13 : memref<!tpu.dma_semaphore, #tpu.memory_space<semaphore_mem>>)
      %dma_start3A_26 = arith.constant 1 : i32
      %dma_start3A_27 = arith.constant 128 : i32
      %dma_start3A_28 = arith.constant 0 : i32
      %dma_start3A_29 = tpu.memref_slice %arg9[%dma_start3A_27, %dma_start3A_28] : memref<256x64xf32, #tpu.memory_space<vmem>> -> memref<128x64xf32, #tpu.memory_space<vmem>>
      %dma_start3A_30 = arith.constant 0 : i32
      %dma_start3A_31 = tpu.memref_slice %arg8[%dma_start3A_26, %dma_start3A_30] : memref<2x128xi32, #tpu.memory_space<vmem>> -> memref<1x128xi32, #tpu.memory_space<vmem>>
      %dma_start3A_32 = tpu.memref_squeeze %dma_start3A_31 : memref<1x128xi32, #tpu.memory_space<vmem>> -> memref<128xi32, #tpu.memory_space<vmem>>
      %dma_start3A_33 = arith.constant 0 : i32
      %dma_start3A_34 = arith.constant 0 : i32
      %dma_start3A_35 = tpu.memref_slice %arg5[%dma_start3A_33, %dma_start3A_34] : memref<1000000x64xf32, #tpu.memory_space<hbm>> -> memref<1000000x64xf32, #tpu.memory_space<hbm>>
      tpu.enqueue_indirect_dma source(%dma_start3A_35 : memref<1000000x64xf32, #tpu.memory_space<hbm>>) target(%dma_start3A_29 : memref<128x64xf32, #tpu.memory_space<vmem>>) offsets(%dma_start3A_32 : memref<128xi32, #tpu.memory_space<vmem>>) semaphore(%arg13 : memref<!tpu.dma_semaphore, #tpu.memory_space<semaphore_mem>>)
      %dma_start3A_36 = arith.constant 0 : i32
      %dma_start3A_37 = arith.constant 0 : i32
      %dma_start3A_38 = tpu.memref_slice %arg12[%dma_start3A_37] : memref<256xf32, #tpu.memory_space<vmem>> -> memref<128xf32, #tpu.memory_space<vmem>>
      %dma_start3A_39 = arith.constant 0 : i32
      %dma_start3A_40 = tpu.memref_slice %arg8[%dma_start3A_36, %dma_start3A_39] : memref<2x128xi32, #tpu.memory_space<vmem>> -> memref<1x128xi32, #tpu.memory_space<vmem>>
      %dma_start3A_41 = tpu.memref_squeeze %dma_start3A_40 : memref<1x128xi32, #tpu.memory_space<vmem>> -> memref<128xi32, #tpu.memory_space<vmem>>
      %dma_start3A_42 = arith.constant 0 : i32
      %dma_start3A_43 = tpu.memref_slice %arg6[%dma_start3A_42] : memref<1000000xf32, #tpu.memory_space<hbm>> -> memref<1000000xf32, #tpu.memory_space<hbm>>
      tpu.enqueue_indirect_dma source(%dma_start3A_43 : memref<1000000xf32, #tpu.memory_space<hbm>>) target(%dma_start3A_38 : memref<128xf32, #tpu.memory_space<vmem>>) offsets(%dma_start3A_41 : memref<128xi32, #tpu.memory_space<vmem>>) semaphore(%arg13 : memref<!tpu.dma_semaphore, #tpu.memory_space<semaphore_mem>>)
      %dma_start3A_44 = arith.constant 1 : i32
      %dma_start3A_45 = arith.constant 128 : i32
      %dma_start3A_46 = tpu.memref_slice %arg12[%dma_start3A_45] : memref<256xf32, #tpu.memory_space<vmem>> -> memref<128xf32, #tpu.memory_space<vmem>>
      %dma_start3A_47 = arith.constant 0 : i32
      %dma_start3A_48 = tpu.memref_slice %arg8[%dma_start3A_44, %dma_start3A_47] : memref<2x128xi32, #tpu.memory_space<vmem>> -> memref<1x128xi32, #tpu.memory_space<vmem>>
      %dma_start3A_49 = tpu.memref_squeeze %dma_start3A_48 : memref<1x128xi32, #tpu.memory_space<vmem>> -> memref<128xi32, #tpu.memory_space<vmem>>
      %dma_start3A_50 = arith.constant 0 : i32
      %dma_start3A_51 = tpu.memref_slice %arg6[%dma_start3A_50] : memref<1000000xf32, #tpu.memory_space<hbm>> -> memref<1000000xf32, #tpu.memory_space<hbm>>
      tpu.enqueue_indirect_dma source(%dma_start3A_51 : memref<1000000xf32, #tpu.memory_space<hbm>>) target(%dma_start3A_46 : memref<128xf32, #tpu.memory_space<vmem>>) offsets(%dma_start3A_49 : memref<128xi32, #tpu.memory_space<vmem>>) semaphore(%arg13 : memref<!tpu.dma_semaphore, #tpu.memory_space<semaphore_mem>>)
      "tpu.region"() ({
        %run_scoped3A = tpu.sem_alloc : memref<!tpu.dma_semaphore, #tpu.memory_space<semaphore_mem>>
        %dma_start3A_87 = arith.constant 0 : i32
        %dma_start3A_88 = tpu.memref_slice %arg2[%add3A_13, %dma_start3A_87] : memref<819200x64xf32, #tpu.memory_space<hbm>> -> memref<256x64xf32, #tpu.memory_space<hbm>>
        %dma_start3A_89 = arith.constant 0 : i32
        %dma_start3A_90 = tpu.memref_slice %arg2[%add3A_13, %dma_start3A_89] : memref<819200x64xf32, #tpu.memory_space<hbm>> -> memref<256x64xf32, #tpu.memory_space<hbm>>
        tpu.enqueue_dma source(%dma_start3A_90 : memref<256x64xf32, #tpu.memory_space<hbm>>) target(%arg10 : memref<256x64xf32, #tpu.memory_space<vmem>>) target_semaphore(%run_scoped3A : memref<!tpu.dma_semaphore, #tpu.memory_space<semaphore_mem>>)
        %dma_wait3A_91 = arith.constant 0 : i32
        %dma_wait3A_92 = tpu.memref_slice %arg2[%add3A_13, %dma_wait3A_91] : memref<819200x64xf32, #tpu.memory_space<hbm>> -> memref<256x64xf32, #tpu.memory_space<hbm>>
        %dma_wait3A_93 = arith.constant 0 : i32
        %dma_wait3A_94 = tpu.memref_slice %arg2[%add3A_13, %dma_wait3A_93] : memref<819200x64xf32, #tpu.memory_space<hbm>> -> memref<256x64xf32, #tpu.memory_space<hbm>>
        tpu.wait_dma2 semaphore(%run_scoped3A : memref<!tpu.dma_semaphore, #tpu.memory_space<semaphore_mem>>) src(%dma_wait3A_94 : memref<256x64xf32, #tpu.memory_space<hbm>>) dst(%arg10 : memref<256x64xf32, #tpu.memory_space<vmem>>)
        tpu.yield
      }) : () -> ()
      "tpu.region"() ({
        %run_scoped3A = tpu.sem_alloc : memref<!tpu.dma_semaphore, #tpu.memory_space<semaphore_mem>>
        %dma_start3A_87 = tpu.memref_slice %arg4[%add3A_13] : memref<819200xf32, #tpu.memory_space<hbm>> -> memref<256xf32, #tpu.memory_space<hbm>>
        %dma_start3A_88 = tpu.memref_slice %arg4[%add3A_13] : memref<819200xf32, #tpu.memory_space<hbm>> -> memref<256xf32, #tpu.memory_space<hbm>>
        tpu.enqueue_dma source(%dma_start3A_88 : memref<256xf32, #tpu.memory_space<hbm>>) target(%arg11 : memref<256xf32, #tpu.memory_space<vmem>>) target_semaphore(%run_scoped3A : memref<!tpu.dma_semaphore, #tpu.memory_space<semaphore_mem>>)
        %dma_wait3A_89 = tpu.memref_slice %arg4[%add3A_13] : memref<819200xf32, #tpu.memory_space<hbm>> -> memref<256xf32, #tpu.memory_space<hbm>>
        %dma_wait3A_90 = tpu.memref_slice %arg4[%add3A_13] : memref<819200xf32, #tpu.memory_space<hbm>> -> memref<256xf32, #tpu.memory_space<hbm>>
        tpu.wait_dma2 semaphore(%run_scoped3A : memref<!tpu.dma_semaphore, #tpu.memory_space<semaphore_mem>>) src(%dma_wait3A_90 : memref<256xf32, #tpu.memory_space<hbm>>) dst(%arg11 : memref<256xf32, #tpu.memory_space<vmem>>)
        tpu.yield
      }) : () -> ()
      %dma_wait3A = arith.constant 0 : i32
      %dma_wait3A_52 = arith.constant 0 : i32
      %dma_wait3A_53 = arith.constant 0 : i32
      %dma_wait3A_54 = tpu.memref_slice %arg9[%dma_wait3A_52, %dma_wait3A_53] : memref<256x64xf32, #tpu.memory_space<vmem>> -> memref<128x64xf32, #tpu.memory_space<vmem>>
      %dma_wait3A_55 = arith.constant 0 : i32
      %dma_wait3A_56 = tpu.memref_slice %arg8[%dma_wait3A, %dma_wait3A_55] : memref<2x128xi32, #tpu.memory_space<vmem>> -> memref<1x128xi32, #tpu.memory_space<vmem>>
      %dma_wait3A_57 = tpu.memref_squeeze %dma_wait3A_56 : memref<1x128xi32, #tpu.memory_space<vmem>> -> memref<128xi32, #tpu.memory_space<vmem>>
      %dma_wait3A_58 = arith.constant 0 : i32
      %dma_wait3A_59 = arith.constant 0 : i32
      %dma_wait3A_60 = tpu.memref_slice %arg5[%dma_wait3A_58, %dma_wait3A_59] : memref<1000000x64xf32, #tpu.memory_space<hbm>> -> memref<1000000x64xf32, #tpu.memory_space<hbm>>
      tpu.wait_indirect_dma semaphore(%arg13 : memref<!tpu.dma_semaphore, #tpu.memory_space<semaphore_mem>>) src(%dma_wait3A_60 : memref<1000000x64xf32, #tpu.memory_space<hbm>>) dst(%dma_wait3A_54 : memref<128x64xf32, #tpu.memory_space<vmem>>)
      %dma_wait3A_61 = arith.constant 1 : i32
      %dma_wait3A_62 = arith.constant 128 : i32
      %dma_wait3A_63 = arith.constant 0 : i32
      %dma_wait3A_64 = tpu.memref_slice %arg9[%dma_wait3A_62, %dma_wait3A_63] : memref<256x64xf32, #tpu.memory_space<vmem>> -> memref<128x64xf32, #tpu.memory_space<vmem>>
      %dma_wait3A_65 = arith.constant 0 : i32
      %dma_wait3A_66 = tpu.memref_slice %arg8[%dma_wait3A_61, %dma_wait3A_65] : memref<2x128xi32, #tpu.memory_space<vmem>> -> memref<1x128xi32, #tpu.memory_space<vmem>>
      %dma_wait3A_67 = tpu.memref_squeeze %dma_wait3A_66 : memref<1x128xi32, #tpu.memory_space<vmem>> -> memref<128xi32, #tpu.memory_space<vmem>>
      %dma_wait3A_68 = arith.constant 0 : i32
      %dma_wait3A_69 = arith.constant 0 : i32
      %dma_wait3A_70 = tpu.memref_slice %arg5[%dma_wait3A_68, %dma_wait3A_69] : memref<1000000x64xf32, #tpu.memory_space<hbm>> -> memref<1000000x64xf32, #tpu.memory_space<hbm>>
      tpu.wait_indirect_dma semaphore(%arg13 : memref<!tpu.dma_semaphore, #tpu.memory_space<semaphore_mem>>) src(%dma_wait3A_70 : memref<1000000x64xf32, #tpu.memory_space<hbm>>) dst(%dma_wait3A_64 : memref<128x64xf32, #tpu.memory_space<vmem>>)
      %dma_wait3A_71 = arith.constant 0 : i32
      %dma_wait3A_72 = arith.constant 0 : i32
      %dma_wait3A_73 = tpu.memref_slice %arg12[%dma_wait3A_72] : memref<256xf32, #tpu.memory_space<vmem>> -> memref<128xf32, #tpu.memory_space<vmem>>
      %dma_wait3A_74 = arith.constant 0 : i32
      %dma_wait3A_75 = tpu.memref_slice %arg8[%dma_wait3A_71, %dma_wait3A_74] : memref<2x128xi32, #tpu.memory_space<vmem>> -> memref<1x128xi32, #tpu.memory_space<vmem>>
      %dma_wait3A_76 = tpu.memref_squeeze %dma_wait3A_75 : memref<1x128xi32, #tpu.memory_space<vmem>> -> memref<128xi32, #tpu.memory_space<vmem>>
      %dma_wait3A_77 = arith.constant 0 : i32
      %dma_wait3A_78 = tpu.memref_slice %arg6[%dma_wait3A_77] : memref<1000000xf32, #tpu.memory_space<hbm>> -> memref<1000000xf32, #tpu.memory_space<hbm>>
      tpu.wait_indirect_dma semaphore(%arg13 : memref<!tpu.dma_semaphore, #tpu.memory_space<semaphore_mem>>) src(%dma_wait3A_78 : memref<1000000xf32, #tpu.memory_space<hbm>>) dst(%dma_wait3A_73 : memref<128xf32, #tpu.memory_space<vmem>>)
      %dma_wait3A_79 = arith.constant 1 : i32
      %dma_wait3A_80 = arith.constant 128 : i32
      %dma_wait3A_81 = tpu.memref_slice %arg12[%dma_wait3A_80] : memref<256xf32, #tpu.memory_space<vmem>> -> memref<128xf32, #tpu.memory_space<vmem>>
      %dma_wait3A_82 = arith.constant 0 : i32
      %dma_wait3A_83 = tpu.memref_slice %arg8[%dma_wait3A_79, %dma_wait3A_82] : memref<2x128xi32, #tpu.memory_space<vmem>> -> memref<1x128xi32, #tpu.memory_space<vmem>>
      %dma_wait3A_84 = tpu.memref_squeeze %dma_wait3A_83 : memref<1x128xi32, #tpu.memory_space<vmem>> -> memref<128xi32, #tpu.memory_space<vmem>>
      %dma_wait3A_85 = arith.constant 0 : i32
      %dma_wait3A_86 = tpu.memref_slice %arg6[%dma_wait3A_85] : memref<1000000xf32, #tpu.memory_space<hbm>> -> memref<1000000xf32, #tpu.memory_space<hbm>>
      tpu.wait_indirect_dma semaphore(%arg13 : memref<!tpu.dma_semaphore, #tpu.memory_space<semaphore_mem>>) src(%dma_wait3A_86 : memref<1000000xf32, #tpu.memory_space<hbm>>) dst(%dma_wait3A_81 : memref<128xf32, #tpu.memory_space<vmem>>)
      "tpu.region"() ({
        %run_scoped3A = tpu.sem_alloc : memref<!tpu.dma_semaphore, #tpu.memory_space<semaphore_mem>>
        %dma_start3A_87 = arith.constant 0 : i32
        %dma_start3A_88 = tpu.memref_slice %arg7[%add3A_13, %dma_start3A_87] : memref<819200x64xf32, #tpu.memory_space<hbm>> -> memref<256x64xf32, #tpu.memory_space<hbm>>
        %dma_start3A_89 = arith.constant 0 : i32
        %dma_start3A_90 = tpu.memref_slice %arg7[%add3A_13, %dma_start3A_89] : memref<819200x64xf32, #tpu.memory_space<hbm>> -> memref<256x64xf32, #tpu.memory_space<hbm>>
        tpu.enqueue_dma source(%arg9 : memref<256x64xf32, #tpu.memory_space<vmem>>) target(%dma_start3A_90 : memref<256x64xf32, #tpu.memory_space<hbm>>) target_semaphore(%run_scoped3A : memref<!tpu.dma_semaphore, #tpu.memory_space<semaphore_mem>>)
        %dma_wait3A_91 = arith.constant 0 : i32
        %dma_wait3A_92 = tpu.memref_slice %arg7[%add3A_13, %dma_wait3A_91] : memref<819200x64xf32, #tpu.memory_space<hbm>> -> memref<256x64xf32, #tpu.memory_space<hbm>>
        %dma_wait3A_93 = arith.constant 0 : i32
        %dma_wait3A_94 = tpu.memref_slice %arg7[%add3A_13, %dma_wait3A_93] : memref<819200x64xf32, #tpu.memory_space<hbm>> -> memref<256x64xf32, #tpu.memory_space<hbm>>
        tpu.wait_dma2 semaphore(%run_scoped3A : memref<!tpu.dma_semaphore, #tpu.memory_space<semaphore_mem>>) src(%arg9 : memref<256x64xf32, #tpu.memory_space<vmem>>) dst(%dma_wait3A_94 : memref<256x64xf32, #tpu.memory_space<hbm>>)
        tpu.yield
      }) : () -> ()
    }
    %scan3A_9 = arith.constant 100 : i32
    return
  }
}

</mosaic_0001>

<sc_bundles>
// kernel: kernel.3.cloned.1.call-start
scs
__scs_entry_jumppad:
0x0: {  	(pc) =	sbr.rel $0x88, $3  }
0x1: {  	(tag) =	ssettag $0x0;
	lr =	simm.s32 $0x1  }
0x2: {  	[smem:$0x3F9C] =	sst lr;
	_ =	strace $0xD0000000  }
0x3: {  	_ = 	snop  }
0x4: {  	_ = 	snop  }
0x5: {  	_ = 	snop  }
0x6: {  	_ = 	snop  }
0x7: {  	_ = 	snop  }
__scs_overlays_trampoline_lowered:
0x8: {  	[smem:$0x3FAB] =	sst s0  }
0x9: {  	[smem:$0x3FAC] =	sst s1  }
0xa: {  	[smem:$0x3FAD] =	sst s2  }
0xb: {  	[smem:$0x3FAE] =	sst s3  }
0xc: {  	[smem:$0x3FAF] =	sst s4  }
0xd: {  	[smem:$0x3FB0] =	sst s5  }
0xe: {  	[smem:$0x3FB1] =	sst s6  }
0xf: {  	[smem:$0x3FB2] =	sst s7  }
0x10: {  	[smem:$0x3FB3] =	sst s8  }
0x11: {  	[smem:$0x3FB4] =	sst s9;
	s0 =	simm.s32 @!p0 $0x0  }
0x12: {  	s1 =	sld [smem:$0x3F9A];
	s0 =	simm.s32 @p0 $0x1  }
0x13: {  	[smem:$0x3FB5] =	sst s0;
	s0 =	simm.s32 @!p1 $0x0  }
0x14: {  	s2 =	sld [smem:$0x3F99];
	s0 =	simm.s32 @p1 $0x1  }
0x15: {  	[smem:$0x3FB6] =	sst s0;
	s0 =	simm.s32 @!p2 $0x0  }
0x16: {  	s3 =	sld [smem:$0x3FDB];
	s0 =	simm.s32 @p2 $0x1  }
0x17: {  	s4 =	simm.s32 $0x1BF5;
	[smem:$0x3FB8] =	sst s0  }
0x18: {  	s0 =	sld [smem:$0x3F9B];
	_ =	swait.ge [sflag:s4], $0x0  }
0x19: {  	s7 =	sld [smem:$0x3F9C]  }
0x1a: {  	s8 =	sadd.s32 $0xFFFFE003, lr  }
0x1b: {  	s9 =	sadd.s32 $0xFFFFFEF7, lr;
	s5 =	simm.s32 $0xFFFFFFFF;
	p2 =	slt.u32 s8, $0xFFFFF086  }
0x1c: {  	p1 =	slt.u32 s9, $0xF7A;
	s5 =	simm.s32 @!p2 $0x0  }
0x1d: {  	s5 =	simm.s32 @p1 $0x1;
	p0 =	seq.s32 s7, s2  }
0x1e: {  	s7 =	smul.u32 @!p0 $0xF7A, s2;
	p2 =	seq.s32 @!p0 s5, $0x0  }
0x1f: {  	s9 =	smul.u32 $0xF7A, s1;
	s8 =	simm.s32 @!p0 $0x1BF5;
	p2 =	por !p2, p0  }
0x20: {  	[sflag:s8] =	ssyncset.s32 @!p0 $0xFFFFF086;
	s6 =	sadd.s32 @!p0 s3, s7;
	s7 =	simm.s32 @!p0 $0x108  }
0x21: {  	s3 =	sadd.s32 s3, s9;
	s6 =	sadd.s32 @!p0 $0x88, s6;
	s7 =	simm.s32 @p2 $0x1082  }
0x22: {  	[simem:s7], [sflag:s8] =	dma.local @!p0 [hbm:s6], $0xF7A  }
0x23: {  	s9 =	sor.u32 $0xD0000000, s2;
	s6 =	simm.s32 $0x108;
	_ =	swait.ge @!p0 [sflag:s8], $0x0  }
0x24: {  	s3 =	sadd.s32 $0x88, s3;
	s6 =	simm.s32 @!p1 $0x1082;
	[sflag:s4] =	ssyncset.s32 $0xFFFFF086  }
0x25: {  	[simem:s6], [sflag:s4] =	dma.local [hbm:s3], $0xF7A  }
0x26: {  	[smem:$0x3F9C] =	sst s1;
	(tag) =	ssettag s2;
	_ =	strace s9  }
0x27: {  	s1 =	sld [smem:$0x3FAC]  }
0x28: {  	s2 =	sld [smem:$0x3FAD]  }
0x29: {  	s4 =	sld [smem:$0x3FAF]  }
0x2a: {  	p0 =	seq.s32 s5, $0x0;
	s5 =	sld [smem:$0x3FB0]  }
0x2b: {  	s6 =	sld [smem:$0x3FB1]  }
0x2c: {  	s7 =	sld [smem:$0x3FB2]  }
0x2d: {  	s3 =	simm.s32 $0x108;
	s8 =	sld [smem:$0x3FB3]  }
0x2e: {  	s3 =	simm.s32 @!p0 $0x1082;
	s9 =	sld [smem:$0x3FB4]  }
0x2f: {  	lr =	sadd.s32 s0, s3;
	s0 =	sld [smem:$0x3FAB]  }
0x30: {  	s3 =	sld [smem:$0x3FAE]  }
0x31: {  	[smem:$0x3FB7] =	sst s10  }
0x32: {  	s10 =	sld [smem:$0x3FB5];
	_ =	sdelay $0x3  }
0x33: {  	p0 =	seq.s32 s10, $0x1;
	s10 =	sld [smem:$0x3FB7];
	_ =	sdelay $0x3  }
0x34: {  	[smem:$0x3FB7] =	sst s10  }
0x35: {  	s10 =	sld [smem:$0x3FB6];
	_ =	sdelay $0x3  }
0x36: {  	p1 =	seq.s32 s10, $0x1;
	s10 =	sld [smem:$0x3FB7];
	_ =	sdelay $0x3  }
0x37: {  	[smem:$0x3FB7] =	sst s10  }
0x38: {  	s10 =	sld [smem:$0x3FB8]  }
0x39: {  	_ = 	snop;
	(pc) =	sbr.ind lr, $3  }
0x3a: {  	_ = 	snop  }
0x3b: {  	_ = 	snop  }
0x3c: {  	p2 =	seq.s32 s10, $0x1;
	s10 =	sld [smem:$0x3FB7]  }
0x3d: {  	_ =	shalt  }
0x3e: {  	_ =	shalt  }
0x3f: {  	_ =	shalt  }
0x40: {  	_ =	shalt  }
0x41: {  	_ =	shalt  }
0x42: {  	_ =	shalt  }
0x43: {  	_ =	shalt  }
0x44: {  	_ =	shalt  }
0x45: {  	_ =	shalt  }
0x46: {  	_ =	shalt  }
0x47: {  	_ =	shalt  }
0x48: {  	_ =	shalt  }
0x49: {  	_ =	shalt  }
0x4a: {  	_ =	shalt  }
0x4b: {  	_ =	shalt  }
0x4c: {  	_ =	shalt  }
0x4d: {  	_ =	shalt  }
0x4e: {  	_ =	shalt  }
0x4f: {  	_ =	shalt  }
0x50: {  	_ =	shalt  }
0x51: {  	_ =	shalt  }
0x52: {  	_ =	shalt  }
0x53: {  	_ =	shalt  }
0x54: {  	_ =	shalt  }
0x55: {  	_ =	shalt  }
0x56: {  	_ =	shalt  }
0x57: {  	_ =	shalt  }
0x58: {  	_ =	shalt  }
0x59: {  	_ =	shalt  }
0x5a: {  	_ =	shalt  }
0x5b: {  	_ =	shalt  }
0x5c: {  	_ =	shalt  }
0x5d: {  	_ =	shalt  }
0x5e: {  	_ =	shalt  }
0x5f: {  	_ =	shalt  }
0x60: {  	_ =	shalt  }
0x61: {  	_ =	shalt  }
0x62: {  	_ =	shalt  }
0x63: {  	_ =	shalt  }
0x64: {  	_ =	shalt  }
0x65: {  	_ =	shalt  }
0x66: {  	_ =	shalt  }
0x67: {  	_ =	shalt  }
0x68: {  	_ =	shalt  }
0x69: {  	_ =	shalt  }
0x6a: {  	_ =	shalt  }
0x6b: {  	_ =	shalt  }
0x6c: {  	_ =	shalt  }
0x6d: {  	_ =	shalt  }
0x6e: {  	_ =	shalt  }
0x6f: {  	_ =	shalt  }
0x70: {  	_ =	shalt  }
0x71: {  	_ =	shalt  }
0x72: {  	_ =	shalt  }
0x73: {  	_ =	shalt  }
0x74: {  	_ =	shalt  }
0x75: {  	_ =	shalt  }
0x76: {  	_ =	shalt  }
0x77: {  	_ =	shalt  }
0x78: {  	_ =	shalt  }
0x79: {  	_ =	shalt  }
0x7a: {  	_ =	shalt  }
0x7b: {  	_ =	shalt  }
0x7c: {  	_ =	shalt  }
0x7d: {  	_ =	shalt  }
0x7e: {  	_ =	shalt  }
0x7f: {  	_ =	shalt  }
0x80: {  	_ =	shalt  }
0x81: {  	_ =	shalt  }
0x82: {  	_ =	shalt  }
0x83: {  	_ =	shalt  }
0x84: {  	_ =	shalt  }
0x85: {  	_ =	shalt  }
0x86: {  	_ =	shalt  }
0x87: {  	_ =	shalt  }
.Lfunc_end0:
.L_simem_size_0:
called_computation.1_lowered:
.L_overlay_start_0:
0x88: {  	s2 =	sld [smem:$0x3FD9]  }
0x89: {  	s3 =	sld [smem:$0x3FFE];
	_ =	sdelay $0x1  }
0x8a: {  	s1 =	srdreg.scid  }
0x8b: {  	s0 =	sand.u32 $0x1, s1  }
0x8c: {  	s17 =	sshll.u32 s0, $0xA;
	s2 =	sadd.s32 s3, s2  }
0x8d: {  	s2 =	sadd.s32 s2, s17  }
0x8e: {  	[smem:$0x3FC3] =	sst s2  }
0x8f: {  	_ = 	snop  }
0x90: {  	s2 =	sld [smem:$0x3FC5]  }
0x91: {  	s18 =	sld [smem:$0x3FD0];
	(tm) =	ssettm $0x1  }
0x92: {  	s4 =	sld [smem:$0x3FFB];
	_ =	sdelay $0x3  }
0x93: {  	_ =	strace s4  }
0x94: {  	s4 =	sld [smem:$0x3FFC];
	_ =	sdelay $0x3  }
0x95: {  	_ =	strace s4  }
0x96: {  	s4 =	sld [smem:$0x3FFD];
	_ =	sdelay $0x3  }
0x97: {  	_ =	strace s4  }
0x98: {  	_ =	strace $0x8FFFFFFF  }
0x99: {  	s19 =	sld [smem:$0x3FDB];
	_ =	sdelay $0x1  }
0x9a: {  	s5 =	simm.s32 $_scs_section_size  }
0x9b: {  	s6 =	simm.s32 $_size__tile_overlayer_lowered;
	s7 =	simm.s32 $_tile_overlayer_lowered  }
0x9c: {  	s22 =	simm.s32 $0x1BFF;
	s21 =	sshll.u32 s7, $0x1;
	s4 =	sadd.s32 s5, s19  }
0x9d: {  	s8 =	simm.s32 $0x0;
	s20 =	sshll.u32 s6, $0x1;
	s6 =	sadd.s32 s21, s4  }
0x9e: {  	[timem:s8], [sflag:s22] =	dma.local [hbm:s6], s20  }
0x9f: {  	_ =	swait.ge [sflag:s22], s20  }
0xa0: {  	s5 =	ssub.s32 $0x0, s20;
	[sflag:s22] =	ssyncset.done $0x0  }
0xa1: {  	[sflag:s22] =	ssyncadd.s32 s5;
	_ =	sdelay $0x1  }
0xa2: {  	s23 =	simm.s32 $0x1B8B  }
0xa3: {  	_ =	swait.ge [sflag:s23], $0x1  }
0xa4: {  	[sflag:s23] =	ssyncset.done $0x0  }
0xa5: {  	s25 =	simm.s32 $0x1B8E;
	s24 =	sld [smem:$0x3FFE];
	[sflag:s23] =	ssyncadd.s32 $0xFFFFFFFF  }
0xa6: {  	s26 =	simm.s32 $execute0_lowered;
	[smem:$0x3FD2] =	sst s25  }
0xa7: {  	s6 =	sshll.u32 s26, $0x1;
	_ =	strace $0x80000046;
	[dreg:$0x1] =	wrdreg $0xFFFFFFFF  }
0xa8: {  	s28 =	simm.s32 $_size_execute0_lowered;
	s4 =	sadd.s32 s4, s6;
	[dreg:$0x0] =	wrdreg $0x0  }
0xa9: {  	s6 =	sshll.u32 s28, $0x1;
	[dreg:$0x2] =	wrdreg s4  }
0xaa: {  	[dreg:$0x3] =	wrdreg s6  }
0xab: {  	[dreg:$0x4] =	wrdreg $0xC0  }
0xac: {  	_ =	task [dreg:s8], $0x5FFFF  }
0xad: {  	[dreg:$0x1] =	wrdreg $0xFFFFFFFF  }
0xae: {  	[dreg:$0x0] =	wrdreg $0x60  }
0xaf: {  	[dreg:$0x2] =	wrdreg s18  }
0xb0: {  	[dreg:$0x3] =	wrdreg s24  }
0xb1: {  	[dreg:$0x4] =	wrdreg s2  }
0xb2: {  	[dreg:$0x5] =	wrdreg $0x9  }
0xb3: {  	_ =	task.clear_ibuf [dreg:s8], $0x6FFFF;
	_ =	strace $0x90000046  }
0xb4: {  	s29 =	simm.s32 $0x9;
	_ =	strace $0x80000048  }
0xb5: {  	_ =	swait.ge [sflag:s29], $0x1  }
0xb6: {  	[sflag:s29] =	ssyncadd.s32 $0xFFFFFFFF  }
0xb7: {  	_ =	strace $0x90000048  }
0xb8: {  	_ =	sfence  }
0xb9: {  	s30 =	sld [smem:$0x0];
	_ =	sdelay $0x2  }
0xba: {  	s31 =	sshll.u32 s1, $0xD;
	s1 =	sshrl.u32 s1, $0x2  }
0xbb: {  	s3 =	sand.u32 $0x4000, s31;
	s1 =	sadd.s32 s1, s30  }
0xbc: {  	s0 =	sor.u32 s3, s0;
	s1 =	sshll.u32 s1, $0x11  }
0xbd: {  	s0 =	sor.u32 s1, s0  }
0xbe: {  	s0 =	sadd.s32 $0x8F2B, s0  }
0xbf: {  	[sflag:s0] =	ssyncadd.remote.s32 $0x1  }
0xc0: {  	_ =	sfence.sel $0xFFFF  }
0xc1: {  	[dreg:$0x0] =	wrdreg $0xFFFFFFFF;
	(pc) =	sbr.abs _section_cstart, $3  }
0xc2: {  	[dreg:$0x1] =	wrdreg $0xFFFFFFFF  }
0xc3: {  	_ =	task.clear_ibuf [dreg:s8], $0x2FFFF;
	_ =	strace $0x9FFFFFFF  }
0xc4: {  	(tm) =	ssettm $0x7FFFFFFF  }
0xc5: {  	_ =	shalt  }
tec
execute0_lowered:
.L_overlay_start_1:
0x0: {  	(tag) =	ssettag $0x1  }
0x1: {  	s8 =	rddreg [dreg:$0x0]  }
0x2: {  	s1 =	srdreg.scid;
	s5 =	rddreg [dreg:$0x1]  }
0x3: {  	s0 =	stileid.u32;
	s2 =	rddreg [dreg:$0x2];
	s3 =	simm.s32 $0x0  }
0x4: {  	s13 =	simm.s32 $0x2100;
	s14 =	simm.s32 $0x8200;
	s15 =	simm.s32 $0x8280  }
0x5: {  	s16 =	simm.s32 $0x4100;
	s17 =	simm.s32 $0x8100;
	s18 =	simm.s32 $0x1  }
0x6: {  	s6 =	sand.u32 $0x1, s1;
	s4 =	smul.u32 $0xC800, s0;
	s1 =	rddreg [dreg:$0x3]  }
0x7: {  	s19 =	simm.s32 $0x0;
	[smem:$0x7FF] =	sst s3;
	s10 =	smul.u32 $0x64000, s0  }
0x8: {  	s7 =	smul.u32 $0x6400, s6;
	_ =	strace $0x80000047;
	s29 =	ssub.s32 $0x2, s6  }
0x9: {  	s30 =	smul.u32 $0x32000, s6;
	s11 =	sshrl.u32 s29, $0x1;
	s12 =	sadd.s32 s10, s5  }
0xa: {  	s10 =	sadd.s32 s10, s8;
	s4 =	sadd.s32 s7, s4;
	s7 =	ssub.s32 s29, s11  }
0xb: {  	s31 =	sadd.s32 s30, s12;
	s11 =	simm.s32 $0x80;
	s4 =	sshrl.u32 s4, $0x3  }
0xc: {  	s12 =	simm.s32 $0x100;
	s8 =	sadd.s32 $0x32C00, s31;
	s9 =	sadd.s32 s4, s5  }
0xd: {  	s4 =	sadd.s32 $0xF43000, s5;
	s5 =	smax.u32 s7, $0x1;
	s6 =	sadd.s32 $0xC00, s9  }
0xe: {  	s7 =	sadd.s32 $0x19C00, s9;
	s9 =	sadd.s32 s30, s10;
	s10 =	simm.s32 $0x2  }
.LBB2_1:
0xf: {  	s20 =	sadd.s32 $0x0, s7  }
0x10: {  	[tilespmem:s3], [sflag:$0x2] =	stream.linear.gather [hbm4b:s20+s3], $0x100, $0x38;
	[tilespmem:$0x8300] =	vst v63  }
0x11: {  	_ =	swait.ge [sflag:s10], $0x100  }
0x12: {  	[sflag:s10] =	ssyncset.done $0x0  }
0x13: {  	[sflag:s10] =	ssyncadd.s32 $0xFFFFFF00  }
0x14: {  	[tilespmem:s12], [sflag:$0x1] =	stream.indirect.gather [hbm4b:s4+s11], $0x40, s3, s11, $0xb8;
	[tilespmem:$0x8300] =	vst v63  }
0x15: {  	_ = 	snop  }
0x16: {  	[tilespmem:s13], [sflag:$0x1] =	stream.indirect.gather [hbm4b:s4+s11], $0x40, s11, s11, $0xb8;
	[tilespmem:$0x8300] =	vst v63  }
0x17: {  	_ = 	snop  }
0x18: {  	[tilespmem:s14], [sflag:$0x1] =	stream.indirect.gather [hbm4b:s2+s11], $0x1, s3, s11, $0xb8;
	[tilespmem:$0x8300] =	vst v63  }
0x19: {  	_ = 	snop  }
0x1a: {  	[tilespmem:s15], [sflag:$0x1] =	stream.indirect.gather [hbm4b:s2+s11], $0x1, s11, s11, $0xb8;
	[tilespmem:$0x8300] =	vst v63  }
0x1b: {  	_ = 	snop  }
0x1c: {  	[tilespmem:s16], [sflag:$0x2] =	stream.linear.gather [hbm4b:s9+s3], $0x4000, $0x38;
	[tilespmem:$0x8300] =	vst v63  }
0x1d: {  	_ =	swait.ge [sflag:s10], $0x4000  }
0x1e: {  	[sflag:s10] =	ssyncset.done $0x0  }
0x1f: {  	s31 =	sadd.s32 $0x0, s6;
	[sflag:s10] =	ssyncadd.s32 $0xFFFFC000  }
0x20: {  	[tilespmem:s17], [sflag:$0x2] =	stream.linear.gather [hbm4b:s31+s3], $0x100, $0x38;
	[tilespmem:$0x8300] =	vst v63  }
0x21: {  	_ =	swait.ge [sflag:s10], $0x100  }
0x22: {  	[sflag:s10] =	ssyncset.done $0x0  }
0x23: {  	[sflag:s10] =	ssyncadd.s32 $0xFFFFFF00  }
0x24: {  	_ =	swait.ge [sflag:s18], $0x2000  }
0x25: {  	[sflag:s18] =	ssyncset.done $0x0  }
0x26: {  	[sflag:s18] =	ssyncadd.s32 $0xFFFFE000  }
0x27: {  	_ =	swait.ge [sflag:s18], $0x2000  }
0x28: {  	[sflag:s18] =	ssyncset.done $0x0  }
0x29: {  	[sflag:s18] =	ssyncadd.s32 $0xFFFFE000  }
0x2a: {  	_ =	swait.ge [sflag:s18], $0x80  }
0x2b: {  	[sflag:s18] =	ssyncset.done $0x0  }
0x2c: {  	[sflag:s18] =	ssyncadd.s32 $0xFFFFFF80  }
0x2d: {  	_ =	swait.ge [sflag:s18], $0x80  }
0x2e: {  	[sflag:s18] =	ssyncset.done $0x0  }
0x2f: {  	[sflag:s18] =	ssyncadd.s32 $0xFFFFFF80  }
0x30: {  	[hbm4b:s8+s3] =	stream.linear.scatter [tilespmem:s12], [sflag:$0x2], $0x4000, $0x38;
	[tilespmem:$0x8300] =	vst v63  }
0x31: {  	s21 =	simm.s32 $0x20;
	s24 =	simm.s32 $0x40;
	_ =	swait.ge [sflag:s10], $0x4000  }
0x32: {  	s22 =	sadd.s32 $0x800, s9;
	s20 =	sadd.s32 $0x800, s8;
	[sflag:s10] =	ssyncset.done $0x0  }
.LBB2_2:
0x33: {  	s25 =	sadd.s32 s21, s7  }
0x34: {  	[sflag:s10] =	ssyncadd.s32 $0xFFFFC000;
	s26 =	smov.u32 s24;
	s23 =	sadd.s32 $0x20, s24  }
0x35: {  	[tilespmem:s3], [sflag:$0x2] =	stream.linear.gather [hbm4b:s25+s3], $0x100, $0x38;
	[tilespmem:$0x8300] =	vst v63  }
0x36: {  	p0 =	sne.s32 s24, $0xC60;
	_ =	swait.ge [sflag:s10], $0x100  }
0x37: {  	[sflag:s10] =	ssyncset.done $0x0  }
0x38: {  	[sflag:s10] =	ssyncadd.s32 $0xFFFFFF00  }
0x39: {  	[tilespmem:s12], [sflag:$0x1] =	stream.indirect.gather [hbm4b:s4+s11], $0x40, s3, s11, $0xb8;
	[tilespmem:$0x8300] =	vst v63  }
0x3a: {  	_ = 	snop  }
0x3b: {  	[tilespmem:s13], [sflag:$0x1] =	stream.indirect.gather [hbm4b:s4+s11], $0x40, s11, s11, $0xb8;
	[tilespmem:$0x8300] =	vst v63  }
0x3c: {  	_ = 	snop  }
0x3d: {  	[tilespmem:s14], [sflag:$0x1] =	stream.indirect.gather [hbm4b:s2+s11], $0x1, s3, s11, $0xb8;
	[tilespmem:$0x8300] =	vst v63  }
0x3e: {  	_ = 	snop  }
0x3f: {  	[tilespmem:s15], [sflag:$0x1] =	stream.indirect.gather [hbm4b:s2+s11], $0x1, s11, s11, $0xb8;
	[tilespmem:$0x8300] =	vst v63  }
0x40: {  	_ = 	snop  }
0x41: {  	[tilespmem:s16], [sflag:$0x2] =	stream.linear.gather [hbm4b:s22+s3], $0x4000, $0x38;
	[tilespmem:$0x8300] =	vst v63  }
0x42: {  	_ =	swait.ge [sflag:s10], $0x4000  }
0x43: {  	[sflag:s10] =	ssyncset.done $0x0  }
0x44: {  	s24 =	sadd.s32 s21, s6;
	s21 =	smov.u32 s26;
	[sflag:s10] =	ssyncadd.s32 $0xFFFFC000  }
0x45: {  	[tilespmem:s17], [sflag:$0x2] =	stream.linear.gather [hbm4b:s24+s3], $0x100, $0x38;
	[tilespmem:$0x8300] =	vst v63  }
0x46: {  	_ =	swait.ge [sflag:s10], $0x100  }
0x47: {  	[sflag:s10] =	ssyncset.done $0x0  }
0x48: {  	[sflag:s10] =	ssyncadd.s32 $0xFFFFFF00  }
0x49: {  	_ =	swait.ge [sflag:s18], $0x2000  }
0x4a: {  	[sflag:s18] =	ssyncset.done $0x0  }
0x4b: {  	[sflag:s18] =	ssyncadd.s32 $0xFFFFE000  }
0x4c: {  	_ =	swait.ge [sflag:s18], $0x2000  }
0x4d: {  	[sflag:s18] =	ssyncset.done $0x0  }
0x4e: {  	[sflag:s18] =	ssyncadd.s32 $0xFFFFE000  }
0x4f: {  	_ =	swait.ge [sflag:s18], $0x80  }
0x50: {  	[sflag:s18] =	ssyncset.done $0x0  }
0x51: {  	[sflag:s18] =	ssyncadd.s32 $0xFFFFFF80  }
0x52: {  	_ =	swait.ge [sflag:s18], $0x80  }
.Ltmp0:
0x53: {  	[sflag:s18] =	ssyncset.done $0x0;
	(pc) =	sbr.rel @p0 .LBB2_2-.Ltmp0, $4  }
0x54: {  	[sflag:s18] =	ssyncadd.s32 $0xFFFFFF80  }
0x55: {  	[hbm4b:s20+s3] =	stream.linear.scatter [tilespmem:s12], [sflag:$0x2], $0x4000, $0x38;
	[tilespmem:$0x8300] =	vst v63  }
0x56: {  	s22 =	sadd.s32 $0x800, s22;
	_ =	swait.ge [sflag:s10], $0x4000  }
0x57: {  	s24 =	smov.u32 s23;
	s20 =	sadd.s32 $0x800, s20;
	[sflag:s10] =	ssyncset.done $0x0  }
0x58: {  	s23 =	sadd.s32 s21, s7;
	[sflag:s10] =	ssyncadd.s32 $0xFFFFC000  }
0x59: {  	[tilespmem:s3], [sflag:$0x2] =	stream.linear.gather [hbm4b:s23+s3], $0x100, $0x38;
	[tilespmem:$0x8300] =	vst v63  }
0x5a: {  	_ =	swait.ge [sflag:s10], $0x100  }
0x5b: {  	[sflag:s10] =	ssyncset.done $0x0  }
0x5c: {  	[sflag:s10] =	ssyncadd.s32 $0xFFFFFF00  }
0x5d: {  	[tilespmem:s12], [sflag:$0x1] =	stream.indirect.gather [hbm4b:s4+s11], $0x40, s3, s11, $0xb8;
	[tilespmem:$0x8300] =	vst v63  }
0x5e: {  	_ = 	snop  }
0x5f: {  	[tilespmem:s13], [sflag:$0x1] =	stream.indirect.gather [hbm4b:s4+s11], $0x40, s11, s11, $0xb8;
	[tilespmem:$0x8300] =	vst v63  }
0x60: {  	_ = 	snop  }
0x61: {  	[tilespmem:s14], [sflag:$0x1] =	stream.indirect.gather [hbm4b:s2+s11], $0x1, s3, s11, $0xb8;
	[tilespmem:$0x8300] =	vst v63  }
0x62: {  	_ = 	snop  }
0x63: {  	[tilespmem:s15], [sflag:$0x1] =	stream.indirect.gather [hbm4b:s2+s11], $0x1, s11, s11, $0xb8;
	[tilespmem:$0x8300] =	vst v63  }
0x64: {  	_ = 	snop  }
0x65: {  	[tilespmem:s16], [sflag:$0x2] =	stream.linear.gather [hbm4b:s22+s3], $0x4000, $0x38;
	[tilespmem:$0x8300] =	vst v63  }
0x66: {  	_ =	swait.ge [sflag:s10], $0x4000  }
0x67: {  	[sflag:s10] =	ssyncset.done $0x0  }
0x68: {  	s31 =	sadd.s32 s21, s6;
	[sflag:s10] =	ssyncadd.s32 $0xFFFFC000  }
0x69: {  	[tilespmem:s17], [sflag:$0x2] =	stream.linear.gather [hbm4b:s31+s3], $0x100, $0x38;
	[tilespmem:$0x8300] =	vst v63  }
0x6a: {  	_ =	swait.ge [sflag:s10], $0x100  }
0x6b: {  	[sflag:s10] =	ssyncset.done $0x0  }
0x6c: {  	[sflag:s10] =	ssyncadd.s32 $0xFFFFFF00  }
0x6d: {  	_ =	swait.ge [sflag:s18], $0x2000  }
0x6e: {  	[sflag:s18] =	ssyncset.done $0x0  }
0x6f: {  	[sflag:s18] =	ssyncadd.s32 $0xFFFFE000  }
0x70: {  	_ =	swait.ge [sflag:s18], $0x2000  }
0x71: {  	[sflag:s18] =	ssyncset.done $0x0  }
0x72: {  	[sflag:s18] =	ssyncadd.s32 $0xFFFFE000  }
0x73: {  	_ =	swait.ge [sflag:s18], $0x80  }
0x74: {  	[sflag:s18] =	ssyncset.done $0x0  }
0x75: {  	[sflag:s18] =	ssyncadd.s32 $0xFFFFFF80  }
0x76: {  	s19 =	sadd.s32 $0x1, s19;
	_ =	swait.ge [sflag:s18], $0x80  }
0x77: {  	p0 =	sne.s32 s19, s5;
	[sflag:s18] =	ssyncset.done $0x0  }
.Ltmp1:
0x78: {  	[sflag:s18] =	ssyncadd.s32 $0xFFFFFF80;
	(pc) =	sbr.rel @p0 .LBB2_1-.Ltmp1, $4  }
0x79: {  	[hbm4b:s20+s3] =	stream.linear.scatter [tilespmem:s12], [sflag:$0x2], $0x4000, $0x38;
	[tilespmem:$0x8300] =	vst v63  }
0x7a: {  	_ =	swait.ge [sflag:s10], $0x4000  }
0x7b: {  	[sflag:s10] =	ssyncset.done $0x0  }
0x7c: {  	[sflag:s10] =	ssyncadd.s32 $0xFFFFC000  }
0x7d: {  	_ =	sfence.sel $0x180000  }
0x7e: {  	[bflag:$0x0] =	sbarrier.arrive $0xFFFF  }
0x7f: {  	p0 =	sne.s32 s0, $0x0;
	_ =	strace $0x90000047  }
0x80: {  	s0 =	sadd.s32 @!p0 $0x100000, s1;
	[bflag:$0x2] =	sbarrier.arrive $0xFFFF  }
0x81: {  	[sflag:s0] =	ssyncadd.tile.s32 @!p0 $0x1;
	_ =	shalt  }
.Lfunc_end2:
_tile_overlayer_lowered:
.L_overlay_start_2:
0x82: {  	(tag) =	ssettag $0x2  }
0x83: {  	s0 =	rddreg [dreg:$0x0];
	s2 =	stileid.u32  }
0x84: {  	s1 =	rddreg [dreg:$0x1];
	p0 =	sne.s32 s2, $0x0  }
0x85: {  	s3 =	rddreg [dreg:$0x2];
	[bflag:$0x3] =	sbarrier.arrive $0xFFFF;
	s2 =	simm.s32 @!p0 $0x1C02  }
0x86: {  	[timem:s3], [sflag:s2] =	dma.local @!p0 [hbm:s0], s1  }
0x87: {  	s0 =	simm.s32 @!p0 $0x2  }
0x88: {  	_ =	swait.ge @!p0 [sflag:s0], s1  }
0x89: {  	s1 =	ssub.s32 @!p0 $0x0, s1;
	[sflag:s0] =	ssyncset.done @!p0 $0x0  }
0x8a: {  	[sflag:s0] =	ssyncadd.s32 @!p0 s1  }
0x8b: {  	[bflag:$0x3] =	sbarrier.arrive $0xFFFF  }
0x8c: {  	_ =	shalt  }

// kernel: sparse-core-data-format-call.cloned.1.call-start
scs
called_computation_lowered:
.L_overlay_start_0:
0x0: {  	s2 =	sld [smem:$0x3FD9]  }
0x1: {  	s3 =	sld [smem:$0x3FFE];
	_ =	sdelay $0x1  }
0x2: {  	s1 =	srdreg.scid  }
0x3: {  	s0 =	sand.u32 $0x1, s1  }
0x4: {  	s18 =	sshll.u32 s0, $0xA;
	s2 =	sadd.s32 s3, s2  }
0x5: {  	s2 =	sadd.s32 s2, s18  }
0x6: {  	[smem:$0x3FC3] =	sst s2  }
0x7: {  	_ = 	snop  }
0x8: {  	s2 =	sld [smem:$0x3FD0];
	(tm) =	ssettm $0x1  }
0x9: {  	s19 =	sld [smem:$0x3FFB];
	_ =	sdelay $0x3  }
0xa: {  	_ =	strace s19  }
0xb: {  	s3 =	sld [smem:$0x3FFC];
	_ =	sdelay $0x3  }
0xc: {  	_ =	strace s3  }
0xd: {  	s3 =	sld [smem:$0x3FFD];
	_ =	sdelay $0x3  }
0xe: {  	_ =	strace s3  }
0xf: {  	_ =	strace $0x8FFFFFFF  }
0x10: {  	s20 =	sld [smem:$0x3FDB];
	_ =	sdelay $0x1  }
0x11: {  	s4 =	simm.s32 $_scs_section_size  }
0x12: {  	s5 =	simm.s32 $_size__tile_overlayer_lowered;
	s6 =	simm.s32 $_tile_overlayer_lowered  }
0x13: {  	s23 =	simm.s32 $0x1BFF;
	s22 =	sshll.u32 s6, $0x1;
	s3 =	sadd.s32 s4, s20  }
0x14: {  	s7 =	simm.s32 $0x0;
	s21 =	sshll.u32 s5, $0x1;
	s5 =	sadd.s32 s22, s3  }
0x15: {  	[timem:s7], [sflag:s23] =	dma.local [hbm:s5], s21  }
0x16: {  	_ =	swait.ge [sflag:s23], s21  }
0x17: {  	s4 =	ssub.s32 $0x0, s21;
	[sflag:s23] =	ssyncset.done $0x0  }
0x18: {  	[sflag:s23] =	ssyncadd.s32 s4;
	_ =	sdelay $0x1  }
0x19: {  	s24 =	simm.s32 $0x1B8B  }
0x1a: {  	_ =	swait.ge [sflag:s24], $0x1  }
0x1b: {  	[sflag:s24] =	ssyncset.done $0x0  }
0x1c: {  	s26 =	simm.s32 $0x1B8E;
	s25 =	sld [smem:$0x3FFE];
	[sflag:s24] =	ssyncadd.s32 $0xFFFFFFFF  }
0x1d: {  	s27 =	simm.s32 $execute0_lowered;
	[smem:$0x3FD2] =	sst s26  }
0x1e: {  	s5 =	sshll.u32 s27, $0x1;
	_ =	strace $0x80000049;
	[dreg:$0x1] =	wrdreg $0xFFFFFFFF  }
0x1f: {  	s28 =	simm.s32 $_size_execute0_lowered;
	s3 =	sadd.s32 s3, s5;
	[dreg:$0x0] =	wrdreg $0x0  }
0x20: {  	s5 =	sshll.u32 s28, $0x1;
	[dreg:$0x2] =	wrdreg s3  }
0x21: {  	[dreg:$0x3] =	wrdreg s5  }
0x22: {  	[dreg:$0x4] =	wrdreg $0xC0  }
0x23: {  	_ =	task [dreg:s7], $0x5FFFF  }
0x24: {  	[dreg:$0x1] =	wrdreg $0xFFFFFFFF  }
0x25: {  	[dreg:$0x0] =	wrdreg $0x60  }
0x26: {  	[dreg:$0x2] =	wrdreg s25  }
0x27: {  	[dreg:$0x3] =	wrdreg s2  }
0x28: {  	[dreg:$0x4] =	wrdreg $0x9  }
0x29: {  	_ =	task.clear_ibuf [dreg:s7], $0x5FFFF;
	_ =	strace $0x90000049  }
0x2a: {  	s29 =	simm.s32 $0x9;
	_ =	strace $0x8000004B  }
0x2b: {  	_ =	swait.ge [sflag:s29], $0x1  }
0x2c: {  	[sflag:s29] =	ssyncadd.s32 $0xFFFFFFFF  }
0x2d: {  	_ =	strace $0x9000004B  }
0x2e: {  	_ =	sfence  }
0x2f: {  	s30 =	sld [smem:$0x0];
	_ =	sdelay $0x2  }
0x30: {  	s31 =	sshll.u32 s1, $0xD;
	s1 =	sshrl.u32 s1, $0x2  }
0x31: {  	s3 =	sand.u32 $0x4000, s31;
	s1 =	sadd.s32 s1, s30  }
0x32: {  	s0 =	sor.u32 s3, s0;
	s1 =	sshll.u32 s1, $0x11  }
0x33: {  	s0 =	sor.u32 s1, s0  }
0x34: {  	s0 =	sadd.s32 $0x8F2B, s0  }
0x35: {  	[sflag:s0] =	ssyncadd.remote.s32 $0x1  }
0x36: {  	_ =	sfence.sel $0xFFFF  }
0x37: {  	[dreg:$0x0] =	wrdreg $0xFFFFFFFF;
	(pc) =	sbr.abs _section_cstart, $3  }
0x38: {  	[dreg:$0x1] =	wrdreg $0xFFFFFFFF  }
0x39: {  	_ =	task.clear_ibuf [dreg:s7], $0x2FFFF;
	_ =	strace $0x9FFFFFFF  }
0x3a: {  	(tm) =	ssettm $0x7FFFFFFF  }
0x3b: {  	_ =	shalt  }
tec
execute0_lowered:
.L_overlay_start_1:
0x0: {  	(tag) =	ssettag $0x1  }
0x1: {  	s0 =	srdreg.scid  }
0x2: {  	s1 =	sshll.u32 s0, $0x4  }
0x3: {  	s0 =	stileid.u32;
	s1 =	sand.u32 $0x10, s1  }
0x4: {  	s1 =	sor.u32 s0, s1  }
0x5: {  	s6 =	rddreg [dreg:$0x0];
	s4 =	simm.s32 $0x1;
	s2 =	sshll.u32 s1, $0x7  }
0x6: {  	s7 =	simm.s32 $0x2;
	s12 =	simm.s32 $0x0;
	s1 =	ssub.s32 $0x1000, s2  }
0x7: {  	s8 =	simm.s32 $0x8000;
	s13 =	simm.s32 $0x0;
	s3 =	sand.u32 $0xF80, s1  }
0x8: {  	s9 =	simm.s32 $0x0;
	s5 =	sshrl.u32 s1, $0xC;
	p0 =	sne.s32 s3, $0x0  }
.Ltmp0:
0x9: {  	s1 =	rddreg [dreg:$0x2];
	s4 =	simm.s32 @!p0 $0x0;
	(pc) =	sbr.rel .LBB1_1-.Ltmp0, $4  }
0xa: {  	s11 =	simm.s32 $0x0;
	s3 =	rddreg [dreg:$0x1];
	s5 =	sadd.s32 s4, s5  }
0xb: {  	_ =	strace $0x8000004A;
	s4 =	simm.s32 $0x1;
	s5 =	smul.u32 $0xC8, s5  }
0xc: {  	s6 =	sadd.s32 $0x672C00, s6;
	s10 =	smov.u32 s2;
	[sflag:s4] =	ssyncpa.u1 $0x0  }
0xd: {  	p0 =	por $0x0, $0x0;
	[sflag:s7] =	ssyncpa.u1 $0x0;
	s7 =	sor.u32 $0x1, s5  }
.LBB1_4:
0xe: {  	s16 =	sshll.u32 s13, $0x3;
	s17 =	sand.u32 $0x78, s13  }
0xf: {  	s30 =	sand.u32 $0x7E00, s13;
	s12 =	sshll.u32 s12, $0xF;
	s16 =	sand.u32 $0xC00, s16  }
0x10: {  	[tilespmem:s15+$0x810 ss:$0x81] =	vst.msk $0xffff, v2;
	s31 =	sand.u32 $0x7, s13;
	s16 =	sor.u32 s17, s16;
	s17 =	sadd.s32 s3, s30  }
0x11: {  	[tilespmem:s15+$0x1020 ss:$0x81] =	vst.msk $0xffff, v0;
	s13 =	sshll.u32 s31, $0x12;
	s12 =	sadd.s32 s12, s17;
	s16 =	sshrl.u32 s16, $0x3  }
0x12: {  	[tilespmem:s15+$0x0 ss:$0x81] =	vst.msk $0xffff, v1;
	s13 =	sor.u32 $0x400, s13;
	s12 =	sadd.s32 s16, s12  }
0x13: {  	[hbm4b:s12+s13] =	stream.strided.scatter [tilespmem:s14], [sflag:$0x2], $0x2000, s8, s13, $0x20;
	[tilespmem:$0x8080] =	vst v63  }
.LBB1_5:
0x14: {  	s14 =	sadd.s32 $0x1, s9  }
0x15: {  	s12 =	sadd.s32 $0x1000, s10;
	s16 =	smov.u32 s10;
	p2 =	sgt.s32 s14, $0xC7  }
0x16: {  	s16 =	smov.u32 @p2 s12  }
0x17: {  	s14 =	simm.s32 @p2 $0x0;
	p2 =	sgt.s32 s16, $0xFFF  }
0x18: {  	s16 =	smov.u32 @p2 s2;
	p2 =	sne.s32 s11, s7  }
.Ltmp1:
0x19: {  	p1 =	slt.u32 s11, $0x2;
	(pc) =	sbr.rel @!p2 .LBB1_6-.Ltmp1, $4  }
0x1a: {  	s15 =	simm.s32 @!p1 $0x2  }
0x1b: {  	s13 =	smov.u32 s10;
	p0 =	por !p0, !p0;
	_ =	swait.ge @!p1 [sflag:s15], $0x2000  }
0x1c: {  	s12 =	smov.u32 s9;
	[sflag:s15] =	ssyncset.done @!p1 $0x0;
	s9 =	smov.u32 s14  }
0x1d: {  	s11 =	sadd.s32 $0x1, s11;
	[sflag:s15] =	ssyncadd.s32 @!p1 $0xFFFFE000;
	s10 =	smov.u32 s16  }
.LBB1_1:
0x1e: {  	p1 =	sge.u32 s11, s5  }
0x1f: {  	s14 =	sand.u32 @!p1 $0x1FFFFFF, s9  }
0x20: {  	s15 =	smulhi.u32 @!p1 $0x147AE15, s14;
	_ =	sdelay $0x1  }
0x21: {  	s15 =	smul.u32 @!p1 $0xC8, s15  }
0x22: {  	s16 =	sxor.u32 @!p1 $0xFFFFFFFF, s11;
	s17 =	smul.u32 @!p1 $0xC80, s10  }
0x23: {  	s31 =	sadd.s32 $0xFFFFFFFF, s11;
	s16 =	sshll.u32 @!p1 s16, $0xD;
	s14 =	ssub.s32 @!p1 s14, s15  }
0x24: {  	s15 =	sand.u32 @!p1 $0x2000, s16;
	s16 =	sadd.s32 @!p1 s6, s17;
	s14 =	sshll.u32 @!p1 s14, $0x4  }
0x25: {  	s17 =	simm.s32 @!p1 $0x6400;
	s14 =	sadd.s32 @!p1 s14, s16;
	s16 =	simm.s32 @!p1 $0x40  }
0x26: {  	[tilespmem:s15], [sflag:$0x1] =	stream.strided.gather @!p1 [hbm4b:s14+s16], $0x2000, s17, s16, $0x38;
	[tilespmem:$0x8080] =	vst v63  }
0x27: {  	p1 =	sge.u32 s31, s5  }
.Ltmp2:
0x28: {  	_ = 	snop;
	(pc) =	sbr.rel @p1 .LBB1_5-.Ltmp2, $1  }
0x29: {  	_ =	sdelay $0x3  }
0x2a: {  	s14 =	simm.s32 $0x1  }
0x2b: {  	_ =	swait.ge [sflag:s4], $0x2000;
	s14 =	simm.s32 @!p0 $0x0  }
0x2c: {  	[sflag:s4] =	ssyncset.done $0x0;
	s15 =	sshll.u32 s14, $0xD  }
0x2d: {  	[sflag:s4] =	ssyncadd.s32 $0xFFFFE000;
	s18 =	sor.u32 $0x20, s15  }
0x2e: {  	s14 =	smul.u32 $0x8100, s14;
	v3 =	vld [tilespmem:s18+$0x10]  }
0x2f: {  	s30 =	sand.u32 $0x1, s11;
	v2 =	vld [tilespmem:s18+$0xFFFFFFF0]  }
0x30: {  	s15 =	smul.u32 $0x8100, s30;
	s14 =	sshrl.u32 s14, $0x2;
	v0 =	vld [tilespmem:s18+$0x0]  }
0x31: {  	v1 =	vld [tilespmem:s18+$0xFFFFFFE0];
	s16 =	sor.u32 $0x4000, s14  }
0x32: {  	s31 =	sshrl.u32 s15, $0x2;
	s15 =	sadd.s32 $0x0, s16  }
0x33: {  	s17 =	simm.s32 $0x4;
	s18 =	sadd.s32 $0x40, s18;
	s14 =	sor.u32 $0x4000, s31;
	[tilespmem:s15+$0x1830 ss:$0x81] =	vst.msk $0xffff, v3  }
.LBB1_3:
0x34: {  	v3 =	vld [tilespmem:s18+$0x10];
	p1 =	sne.s32 s17, $0x1FC;
	[tilespmem:s15+$0x810 ss:$0x81] =	vst.msk $0xffff, v2;
	s19 =	smov.u32 s17;
	s17 =	sadd.s32 $0x4, s17  }
.Ltmp3:
0x35: {  	v2 =	vld [tilespmem:s18+$0xFFFFFFF0];
	[tilespmem:s15+$0x1020 ss:$0x81] =	vst.msk $0xffff, v0;
	(pc) =	sbr.rel @p1 .LBB1_3-.Ltmp3, $4  }
0x36: {  	v0 =	vld [tilespmem:s18+$0x0];
	[tilespmem:s15+$0x0 ss:$0x81] =	vst.msk $0xffff, v1  }
0x37: {  	s15 =	sshra.s32 s19, $0x2;
	v1 =	vld [tilespmem:s18+$0xFFFFFFE0]  }
0x38: {  	s15 =	sadd.s32 s15, s16  }
0x39: {  	s18 =	sadd.s32 $0x40, s18;
	[tilespmem:s15+$0x1830 ss:$0x81] =	vst.msk $0xffff, v3  }
.Ltmp4:
0x3a: {  	_ = 	snop;
	(pc) =	sbr.rel .LBB1_4-.Ltmp4, $1  }
0x3b: {  	_ =	sdelay $0x3  }
.LBB1_6:
0x3c: {  	_ =	sfence.sel $0x180000  }
0x3d: {  	s2 =	simm.s32 $0x1;
	[bflag:$0x0] =	sbarrier.arrive $0xFFFF  }
0x3e: {  	s31 =	simm.s32 $0x2;
	[sflag:s2] =	ssyncpa.u1 $0x1  }
0x3f: {  	[sflag:s31] =	ssyncpa.u1 $0x1  }
0x40: {  	p0 =	sne.s32 s0, $0x0;
	_ =	strace $0x9000004A  }
0x41: {  	s0 =	sadd.s32 @!p0 $0x100000, s1;
	[bflag:$0x2] =	sbarrier.arrive $0xFFFF  }
0x42: {  	[sflag:s0] =	ssyncadd.tile.s32 @!p0 $0x1;
	_ =	shalt  }
.Lfunc_end1:
_tile_overlayer_lowered:
.L_overlay_start_2:
0x43: {  	(tag) =	ssettag $0x2  }
0x44: {  	s0 =	rddreg [dreg:$0x0];
	s2 =	stileid.u32  }
0x45: {  	s1 =	rddreg [dreg:$0x1];
	p0 =	sne.s32 s2, $0x0  }
0x46: {  	s3 =	rddreg [dreg:$0x2];
	[bflag:$0x3] =	sbarrier.arrive $0xFFFF;
	s2 =	simm.s32 @!p0 $0x1C01  }
0x47: {  	[timem:s3], [sflag:s2] =	dma.local @!p0 [hbm:s0], s1  }
0x48: {  	s0 =	simm.s32 @!p0 $0x1  }
0x49: {  	_ =	swait.ge @!p0 [sflag:s0], s1  }
0x4a: {  	s1 =	ssub.s32 @!p0 $0x0, s1;
	[sflag:s0] =	ssyncset.done @!p0 $0x0  }
0x4b: {  	[sflag:s0] =	ssyncadd.s32 @!p0 s1  }
0x4c: {  	[bflag:$0x3] =	sbarrier.arrive $0xFFFF  }
0x4d: {  	_ =	shalt  }

</sc_bundles>
